<compile_context>
chip_gen: v7x
topology: tpu7x:2x2x1
jax: 0.10.2.dev20260603
libtpu: 0.0.44.dev20260713+nightly
codegen_flags: <defaults>
</compile_context>

<pallas_src>
import functools
import jax
import jax.numpy as jnp
from jax import lax
from jax.experimental import pallas as pl
from jax.experimental.pallas import tpu as pltpu
from jax.experimental.pallas import tpu_sc as plsc

N = 8192
D = 4096
OUT = 4096
NE = 28
NEP = 32
R = 8
RMOE = NE * R
SCALING = 2.0

BN = 256
NW = 32
TPW = N // NW
NEG = -3.0e38


def _logits_kernel(x_ref, wgp_ref, lg_ref):
    xb = x_ref[...].astype(jnp.bfloat16)
    lg = jax.lax.dot_general(wgp_ref[...], xb, (((1,), (1,)), ((), ())),
                             preferred_element_type=jnp.float32)
    ii = jax.lax.broadcasted_iota(jnp.int32, (NEP, BN), 0)
    lg_ref[...] = jnp.where(ii < NE, lg, NEG)


def _sc_router(lg_hbm, g_hbm, lg_v, g_v, sem):
    wid = lax.axis_index("s") * 2 + lax.axis_index("c")
    base = wid * TPW
    pltpu.sync_copy(lg_hbm.at[:, pl.ds(base, TPW)], lg_v)

    def group(gi, _):
        off = gi * 16
        m1 = jnp.full((16,), NEG, jnp.float32)
        m2 = jnp.full((16,), NEG, jnp.float32)
        i1 = jnp.zeros((16,), jnp.int32)
        i2 = jnp.zeros((16,), jnp.int32)

        def scan_e(e, carry):
            m1, i1, m2, i2 = carry
            v = lg_v[e, pl.ds(off, 16)]
            gt1 = v > m1
            gt2 = v > m2
            m2n = jnp.where(gt1, m1, jnp.where(gt2, v, m2))
            i2n = jnp.where(gt1, i1, jnp.where(gt2, e, i2))
            m1n = jnp.where(gt1, v, m1)
            i1n = jnp.where(gt1, e, i1)
            return (m1n, i1n, m2n, i2n)

        m1, i1, m2, i2 = lax.fori_loop(0, NE, scan_e, (m1, i1, m2, i2))
        ex = jnp.exp(m2 - m1)
        w1 = 1.0 / (1.0 + ex)
        w2 = 1.0 - w1
        g_v[0, pl.ds(off, 16)] = w1
        g_v[1, pl.ds(off, 16)] = w2
        g_v[2, pl.ds(off, 16)] = i1.astype(jnp.float32)
        g_v[3, pl.ds(off, 16)] = i2.astype(jnp.float32)
        g_v[4, pl.ds(off, 16)] = w1
        g_v[5, pl.ds(off, 16)] = w2
        g_v[6, pl.ds(off, 16)] = w1
        g_v[7, pl.ds(off, 16)] = w2
        return 0

    lax.fori_loop(0, TPW // 16, group, 0)
    pltpu.sync_copy(g_v, g_hbm.at[:, pl.ds(base, TPW)])


def _main_kernel(x_ref, g_ref, wa_ref, wb_ref, wbt_ref, out_ref):
    xb = x_ref[...].astype(jnp.bfloat16)
    w1 = g_ref[0:1, :].reshape(BN, 1)
    w2 = g_ref[1:2, :].reshape(BN, 1)
    i1 = g_ref[2:3, :].reshape(BN, 1).astype(jnp.int32)
    i2 = g_ref[3:4, :].reshape(BN, 1).astype(jnp.int32)
    colmap = jax.lax.broadcasted_iota(jnp.int32, (BN, RMOE), 1) // R
    gex = jnp.where(colmap == i1, w1, 0.0) + jnp.where(colmap == i2, w2, 0.0)
    h = jnp.dot(xb, wa_ref[...], preferred_element_type=jnp.float32)
    hw = (h * gex).astype(jnp.bfloat16)
    acc = jnp.dot(xb, wb_ref[...], preferred_element_type=jnp.float32)
    acc = acc + jnp.dot(hw, wbt_ref[...], preferred_element_type=jnp.float32)
    out_ref[...] = acc


@jax.jit
def kernel(x, W_base, W_gate, W_A, W_B):
    wgp = jnp.zeros((NEP, D), jnp.bfloat16).at[:NE].set(
        W_gate.astype(jnp.bfloat16))
    wa = W_A.T.astype(jnp.bfloat16)
    wb = W_base.T.astype(jnp.bfloat16)
    wbt = (SCALING * W_B).T.astype(jnp.bfloat16)

    lgT = pl.pallas_call(
        _logits_kernel,
        grid=(N // BN,),
        in_specs=[
            pl.BlockSpec((BN, D), lambda i: (i, 0)),
            pl.BlockSpec((NEP, D), lambda i: (0, 0)),
        ],
        out_specs=pl.BlockSpec((NEP, BN), lambda i: (0, i)),
        out_shape=jax.ShapeDtypeStruct((NEP, N), jnp.float32),
    )(x, wgp)

    g = pl.kernel(
        _sc_router,
        mesh=plsc.VectorSubcoreMesh(core_axis_name="c", subcore_axis_name="s"),
        out_type=jax.ShapeDtypeStruct((8, N), jnp.float32),
        scratch_types=[
            pltpu.VMEM((NEP, TPW), jnp.float32),
            pltpu.VMEM((8, TPW), jnp.float32),
            pltpu.SemaphoreType.DMA,
        ],
    )(lgT)

    return pl.pallas_call(
        _main_kernel,
        grid=(N // BN,),
        in_specs=[
            pl.BlockSpec((BN, D), lambda i: (i, 0)),
            pl.BlockSpec((8, BN), lambda i: (0, i)),
            pl.BlockSpec((D, RMOE), lambda i: (0, 0)),
            pl.BlockSpec((D, OUT), lambda i: (0, 0)),
            pl.BlockSpec((RMOE, OUT), lambda i: (0, 0)),
        ],
        out_specs=pl.BlockSpec((BN, OUT), lambda i: (i, 0)),
        out_shape=jax.ShapeDtypeStruct((N, OUT), jnp.float32),
        compiler_params=pltpu.CompilerParams(
            vmem_limit_bytes=100 * 1024 * 1024,
        ),
    )(x, g, wa, wb, wbt)

# --- scband reference (transcript-rebuilt; emitter-appended) ---
"""Pipeline reference for scband-mo-elinear-77764677861843 (READ-ONLY COPY).

The authoritative reference and input builder live on the scoring server;
editing this copy changes nothing except your own understanding.
"""

import jax, jax.numpy as jnp
import numpy as np

# Dimensions per MoELinear defaults: moe_gate has 28 experts, rmoe=224 (28 experts x rank 8),
# top_k=2, T=1. Base layer is nn.Linear(4096, 4096). scaling = lora_alpha / r = 16 / 8 = 2.0.
N = 8192      # tokens = batch 2 * seq 4096
D = 4096      # in_features
OUT = 4096    # out_features
NE = 28       # number of lora experts (moe_gate output dim)
R = 8         # rank per expert
RMOE = NE * R # 224, total lora_A output dim
TOPK = 2
T = 1.0
SCALING = 2.0


def setup_inputs(seed: int = 0) -> dict:
    key = jax.random.key(seed)
    k1, k2, k3, k4, k5 = jax.random.split(key, 5)
    x = jax.random.normal(k1, (N, D), dtype=jnp.float32)
    # weights stored in torch nn.Linear convention: [out, in]
    W_base = jax.random.normal(k2, (OUT, D), dtype=jnp.float32) * 0.02
    W_gate = jax.random.normal(k3, (NE, D), dtype=jnp.float32)        # nn.init.normal_
    W_A = jax.random.normal(k4, (RMOE, D), dtype=jnp.float32) * 0.02  # kaiming-ish scale
    W_B = jax.random.normal(k5, (OUT, RMOE), dtype=jnp.float32) * 0.02
    return {"x": x, "W_base": W_base, "W_gate": W_gate, "W_A": W_A, "W_B": W_B}


def reference(x, W_base, W_gate, W_A, W_B):
    # base frozen linear
    base = x @ W_base.T                              # [N, OUT]
    # router: gate logits -> softmax(T=1) -> top-k -> renormalize
    logits = x @ W_gate.T                            # [N, NE]
    probs = jax.nn.softmax(logits / T, axis=-1)
    topv, topi = jax.lax.top_k(probs, TOPK)          # [N, TOPK]
    topv = topv / jnp.sum(topv, axis=-1, keepdims=True)
    # dense gate vector with zeros outside the top-k experts
    g = jnp.sum(jax.nn.one_hot(topi, NE, dtype=x.dtype) * topv[..., None], axis=1)  # [N, NE]
    # shared lora_A projects to concatenated per-expert ranks; lora_B maps back.
    # sum_e g_e * (h_e @ B_e^T) == (h * g broadcast per rank-block) @ W_B^T
    h = x @ W_A.T                                    # [N, RMOE]
    hw = (h.reshape(-1, NE, R) * g[:, :, None]).reshape(-1, RMOE)
    moe_out = hw @ W_B.T                             # [N, OUT]
    # dropout is identity at inference
    return base + SCALING * moe_out

if __name__ == "__main__":
    import jax
    _d = setup_inputs()
    print(jax.jit(kernel)(*tuple(_d.values())))

</pallas_src>

<mosaic_0001>
#map = affine_map<(d0, d1) -> (0, 0)>
module attributes {stable_mosaic.version = 14 : i64} {
  func.func @_sc_router(%arg0: i32, %arg1: i32, %arg2: memref<32x8192xf32, #tpu.memory_space<hbm>>, %arg3: memref<8x8192xf32, #tpu.memory_space<hbm>>, %arg4: memref<32x256xf32, #tpu.memory_space<vmem>>, %arg5: memref<8x256xf32, #tpu.memory_space<vmem>>, %arg6: memref<!tpu.dma_semaphore, #tpu.memory_space<semaphore_mem>>) attributes {dimension_semantics = [#tpu.dimension_semantics<core_parallel>, #tpu.dimension_semantics<subcore_parallel>], iteration_bounds = array<i64: 2, 16>, scalar_prefetch = 0 : i64, scratch_operands = 3 : i64, tpu.core_type = #tpu.core_type<sc_vector_subcore>, window_params = [{transform_indices = #map}, {transform_indices = #map}]} {
    %mul3A = arith.constant 2 : i32
    %mul3A_0 = arith.muli %arg1, %mul3A : i32
    %add3A = arith.addi %mul3A_0, %arg0 : i32
    %mul3A_1 = arith.constant 256 : i32
    %mul3A_2 = arith.muli %add3A, %mul3A_1 : i32
    "tpu.region"() ({
      %run_scoped3A = tpu.sem_alloc : memref<!tpu.dma_semaphore, #tpu.memory_space<semaphore_mem>>
      %dma_start3A = arith.constant 0 : i32
      %dma_start3A_9 = tpu.memref_slice %arg2[%dma_start3A, %mul3A_2] : memref<32x8192xf32, #tpu.memory_space<hbm>> -> memref<32x256xf32, #tpu.memory_space<hbm>>
      %dma_start3A_10 = arith.constant 0 : i32
      %dma_start3A_11 = tpu.memref_slice %arg2[%dma_start3A_10, %mul3A_2] : memref<32x8192xf32, #tpu.memory_space<hbm>> -> memref<32x256xf32, #tpu.memory_space<hbm>>
      tpu.enqueue_dma source(%dma_start3A_11 : memref<32x256xf32, #tpu.memory_space<hbm>>) target(%arg4 : memref<32x256xf32, #tpu.memory_space<vmem>>) target_semaphore(%run_scoped3A : memref<!tpu.dma_semaphore, #tpu.memory_space<semaphore_mem>>)
      %dma_wait3A = arith.constant 0 : i32
      %dma_wait3A_12 = tpu.memref_slice %arg2[%dma_wait3A, %mul3A_2] : memref<32x8192xf32, #tpu.memory_space<hbm>> -> memref<32x256xf32, #tpu.memory_space<hbm>>
      %dma_wait3A_13 = arith.constant 0 : i32
      %dma_wait3A_14 = tpu.memref_slice %arg2[%dma_wait3A_13, %mul3A_2] : memref<32x8192xf32, #tpu.memory_space<hbm>> -> memref<32x256xf32, #tpu.memory_space<hbm>>
      tpu.wait_dma2 semaphore(%run_scoped3A : memref<!tpu.dma_semaphore, #tpu.memory_space<semaphore_mem>>) src(%dma_wait3A_14 : memref<32x256xf32, #tpu.memory_space<hbm>>) dst(%arg4 : memref<32x256xf32, #tpu.memory_space<vmem>>)
      tpu.yield
    }) : () -> ()
    %scan3A = arith.constant 0 : i32
    %scan3A_3 = arith.constant 0 : i32
    %scan3A_4 = arith.constant 16 : i32
    %scan3A_5 = arith.addi %scan3A_3, %scan3A_4 : i32
    %scan3A_6 = arith.constant 1 : i32
    %scan3A_7 = scf.for %scan3A_9 = %scan3A_3 to %scan3A_5 step %scan3A_6 iter_args(%scan3A_10 = %scan3A) -> (i32)  : i32 {
      %mul3A_11 = arith.constant 16 : i32
      %mul3A_12 = arith.muli %scan3A_9, %mul3A_11 : i32
      %broadcast_in_dim3A = arith.constant -3.000000e+38 : f32
      %broadcast_in_dim3A_13 = vector.broadcast %broadcast_in_dim3A : f32 to vector<16xf32>
      %broadcast_in_dim3A_14 = arith.constant -3.000000e+38 : f32
      %broadcast_in_dim3A_15 = vector.broadcast %broadcast_in_dim3A_14 : f32 to vector<16xf32>
      %broadcast_in_dim3A_16 = arith.constant 0 : i32
      %broadcast_in_dim3A_17 = vector.broadcast %broadcast_in_dim3A_16 : i32 to vector<16xi32>
      %broadcast_in_dim3A_18 = arith.constant 0 : i32
      %broadcast_in_dim3A_19 = vector.broadcast %broadcast_in_dim3A_18 : i32 to vector<16xi32>
      %scan3A_20 = arith.constant 0 : i32
      %scan3A_21 = arith.constant 28 : i32
      %scan3A_22 = arith.addi %scan3A_20, %scan3A_21 : i32
      %scan3A_23 = arith.constant 1 : i32
      %scan3A_24:4 = scf.for %scan3A_83 = %scan3A_20 to %scan3A_22 step %scan3A_23 iter_args(%scan3A_84 = %broadcast_in_dim3A_13, %scan3A_85 = %broadcast_in_dim3A_17, %scan3A_86 = %broadcast_in_dim3A_15, %scan3A_87 = %broadcast_in_dim3A_19) -> (vector<16xf32>, vector<16xi32>, vector<16xf32>, vector<16xi32>)  : i32 {
        %get3A = arith.index_cast %scan3A_83 : i32 to index
        %get3A_88 = arith.index_cast %mul3A_12 : i32 to index
        %get3A_89 = tpu.vector_load %arg4[%get3A, %get3A_88] {strides = array<i32>} : memref<32x256xf32, #tpu.memory_space<vmem>>, vector<1x16xf32>,
        %get3A_90 = vector.shape_cast %get3A_89 : vector<1x16xf32> to vector<16xf32>
        %gt3A = arith.cmpf ogt, %get3A_90, %scan3A_84 : vector<16xf32>
        %gt3A_91 = arith.cmpf ogt, %get3A_90, %scan3A_86 : vector<16xf32>
        %select_n3A = arith.select %gt3A_91, %get3A_90, %scan3A_86 : vector<16xi1>, vector<16xf32>
        %select_n3A_92 = arith.select %gt3A, %scan3A_84, %select_n3A : vector<16xi1>, vector<16xf32>
        %broadcast_in_dim3A_93 = vector.broadcast %scan3A_83 : i32 to vector<16xi32>
        %select_n3A_94 = arith.select %gt3A_91, %broadcast_in_dim3A_93, %scan3A_87 : vector<16xi1>, vector<16xi32>
        %select_n3A_95 = arith.select %gt3A, %scan3A_85, %select_n3A_94 : vector<16xi1>, vector<16xi32>
        %select_n3A_96 = arith.select %gt3A, %get3A_90, %scan3A_84 : vector<16xi1>, vector<16xf32>
        %broadcast_in_dim3A_97 = vector.broadcast %scan3A_83 : i32 to vector<16xi32>
        %select_n3A_98 = arith.select %gt3A, %broadcast_in_dim3A_97, %scan3A_85 : vector<16xi1>, vector<16xi32>
        scf.yield %select_n3A_96, %select_n3A_98, %select_n3A_92, %select_n3A_95 : vector<16xf32>, vector<16xi32>, vector<16xf32>, vector<16xi32>
      }
      %scan3A_25 = arith.constant 28 : i32
      %sub3A = arith.subf %scan3A_24#2, %scan3A_24#0 : vector<16xf32>
      %exp3A = math.exp %sub3A : vector<16xf32>
      %add3A_26 = arith.constant 1.000000e+00 : f32
      %add3A_27 = vector.broadcast %add3A_26 : f32 to vector<16xf32>
      %add3A_28 = arith.addf %add3A_27, %exp3A : vector<16xf32>
      %div3A = arith.constant 1.000000e+00 : f32
      %div3A_29 = vector.broadcast %div3A : f32 to vector<16xf32>
      %div3A_30 = arith.divf %div3A_29, %add3A_28 : vector<16xf32>
      %sub3A_31 = arith.constant 1.000000e+00 : f32
      %sub3A_32 = vector.broadcast %sub3A_31 : f32 to vector<16xf32>
      %sub3A_33 = arith.subf %sub3A_32, %div3A_30 : vector<16xf32>
      %swap3A = arith.constant 0 : i32
      %swap3A_34 = arith.index_cast %swap3A : i32 to index
      %swap3A_35 = arith.index_cast %mul3A_12 : i32 to index
      %swap3A_36 = tpu.vector_load %arg5[%swap3A_34, %swap3A_35] {strides = array<i32>} : memref<8x256xf32, #tpu.memory_space<vmem>>, vector<1x16xf32>,
      %swap3A_37 = vector.shape_cast %swap3A_36 : vector<1x16xf32> to vector<16xf32>
      %swap3A_38 = vector.shape_cast %div3A_30 : vector<16xf32> to vector<1x16xf32>
      tpu.vector_store %arg5[%swap3A_34, %swap3A_35], %swap3A_38 {strides = array<i32>} : memref<8x256xf32, #tpu.memory_space<vmem>>, vector<1x16xf32>,
      %swap3A_39 = arith.constant 1 : i32
      %swap3A_40 = arith.index_cast %swap3A_39 : i32 to index
      %swap3A_41 = arith.index_cast %mul3A_12 : i32 to index
      %swap3A_42 = tpu.vector_load %arg5[%swap3A_40, %swap3A_41] {strides = array<i32>} : memref<8x256xf32, #tpu.memory_space<vmem>>, vector<1x16xf32>,
      %swap3A_43 = vector.shape_cast %swap3A_42 : vector<1x16xf32> to vector<16xf32>
      %swap3A_44 = vector.shape_cast %sub3A_33 : vector<16xf32> to vector<1x16xf32>
      tpu.vector_store %arg5[%swap3A_40, %swap3A_41], %swap3A_44 {strides = array<i32>} : memref<8x256xf32, #tpu.memory_space<vmem>>, vector<1x16xf32>,
      %convert_element_type3A = arith.sitofp %scan3A_24#1 : vector<16xi32> to vector<16xf32>
      %swap3A_45 = arith.constant 2 : i32
      %swap3A_46 = arith.index_cast %swap3A_45 : i32 to index
      %swap3A_47 = arith.index_cast %mul3A_12 : i32 to index
      %swap3A_48 = tpu.vector_load %arg5[%swap3A_46, %swap3A_47] {strides = array<i32>} : memref<8x256xf32, #tpu.memory_space<vmem>>, vector<1x16xf32>,
      %swap3A_49 = vector.shape_cast %swap3A_48 : vector<1x16xf32> to vector<16xf32>
      %swap3A_50 = vector.shape_cast %convert_element_type3A : vector<16xf32> to vector<1x16xf32>
      tpu.vector_store %arg5[%swap3A_46, %swap3A_47], %swap3A_50 {strides = array<i32>} : memref<8x256xf32, #tpu.memory_space<vmem>>, vector<1x16xf32>,
      %convert_element_type3A_51 = arith.sitofp %scan3A_24#3 : vector<16xi32> to vector<16xf32>
      %swap3A_52 = arith.constant 3 : i32
      %swap3A_53 = arith.index_cast %swap3A_52 : i32 to index
      %swap3A_54 = arith.index_cast %mul3A_12 : i32 to index
      %swap3A_55 = tpu.vector_load %arg5[%swap3A_53, %swap3A_54] {strides = array<i32>} : memref<8x256xf32, #tpu.memory_space<vmem>>, vector<1x16xf32>,
      %swap3A_56 = vector.shape_cast %swap3A_55 : vector<1x16xf32> to vector<16xf32>
      %swap3A_57 = vector.shape_cast %convert_element_type3A_51 : vector<16xf32> to vector<1x16xf32>
      tpu.vector_store %arg5[%swap3A_53, %swap3A_54], %swap3A_57 {strides = array<i32>} : memref<8x256xf32, #tpu.memory_space<vmem>>, vector<1x16xf32>,
      %swap3A_58 = arith.constant 4 : i32
      %swap3A_59 = arith.index_cast %swap3A_58 : i32 to index
      %swap3A_60 = arith.index_cast %mul3A_12 : i32 to index
      %swap3A_61 = tpu.vector_load %arg5[%swap3A_59, %swap3A_60] {strides = array<i32>} : memref<8x256xf32, #tpu.memory_space<vmem>>, vector<1x16xf32>,
      %swap3A_62 = vector.shape_cast %swap3A_61 : vector<1x16xf32> to vector<16xf32>
      %swap3A_63 = vector.shape_cast %div3A_30 : vector<16xf32> to vector<1x16xf32>
      tpu.vector_store %arg5[%swap3A_59, %swap3A_60], %swap3A_63 {strides = array<i32>} : memref<8x256xf32, #tpu.memory_space<vmem>>, vector<1x16xf32>,
      %swap3A_64 = arith.constant 5 : i32
      %swap3A_65 = arith.index_cast %swap3A_64 : i32 to index
      %swap3A_66 = arith.index_cast %mul3A_12 : i32 to index
      %swap3A_67 = tpu.vector_load %arg5[%swap3A_65, %swap3A_66] {strides = array<i32>} : memref<8x256xf32, #tpu.memory_space<vmem>>, vector<1x16xf32>,
      %swap3A_68 = vector.shape_cast %swap3A_67 : vector<1x16xf32> to vector<16xf32>
      %swap3A_69 = vector.shape_cast %sub3A_33 : vector<16xf32> to vector<1x16xf32>
      tpu.vector_store %arg5[%swap3A_65, %swap3A_66], %swap3A_69 {strides = array<i32>} : memref<8x256xf32, #tpu.memory_space<vmem>>, vector<1x16xf32>,
      %swap3A_70 = arith.constant 6 : i32
      %swap3A_71 = arith.index_cast %swap3A_70 : i32 to index
      %swap3A_72 = arith.index_cast %mul3A_12 : i32 to index
      %swap3A_73 = tpu.vector_load %arg5[%swap3A_71, %swap3A_72] {strides = array<i32>} : memref<8x256xf32, #tpu.memory_space<vmem>>, vector<1x16xf32>,
      %swap3A_74 = vector.shape_cast %swap3A_73 : vector<1x16xf32> to vector<16xf32>
      %swap3A_75 = vector.shape_cast %div3A_30 : vector<16xf32> to vector<1x16xf32>
      tpu.vector_store %arg5[%swap3A_71, %swap3A_72], %swap3A_75 {strides = array<i32>} : memref<8x256xf32, #tpu.memory_space<vmem>>, vector<1x16xf32>,
      %swap3A_76 = arith.constant 7 : i32
      %swap3A_77 = arith.index_cast %swap3A_76 : i32 to index
      %swap3A_78 = arith.index_cast %mul3A_12 : i32 to index
      %swap3A_79 = tpu.vector_load %arg5[%swap3A_77, %swap3A_78] {strides = array<i32>} : memref<8x256xf32, #tpu.memory_space<vmem>>, vector<1x16xf32>,
      %swap3A_80 = vector.shape_cast %swap3A_79 : vector<1x16xf32> to vector<16xf32>
      %swap3A_81 = vector.shape_cast %sub3A_33 : vector<16xf32> to vector<1x16xf32>
      tpu.vector_store %arg5[%swap3A_77, %swap3A_78], %swap3A_81 {strides = array<i32>} : memref<8x256xf32, #tpu.memory_space<vmem>>, vector<1x16xf32>,
      %scan3A_82 = arith.constant 0 : i32
      scf.yield %scan3A_82 : i32
    }
    %scan3A_8 = arith.constant 16 : i32
    "tpu.region"() ({
      %run_scoped3A = tpu.sem_alloc : memref<!tpu.dma_semaphore, #tpu.memory_space<semaphore_mem>>
      %dma_start3A = arith.constant 0 : i32
      %dma_start3A_9 = tpu.memref_slice %arg3[%dma_start3A, %mul3A_2] : memref<8x8192xf32, #tpu.memory_space<hbm>> -> memref<8x256xf32, #tpu.memory_space<hbm>>
      %dma_start3A_10 = arith.constant 0 : i32
      %dma_start3A_11 = tpu.memref_slice %arg3[%dma_start3A_10, %mul3A_2] : memref<8x8192xf32, #tpu.memory_space<hbm>> -> memref<8x256xf32, #tpu.memory_space<hbm>>
      tpu.enqueue_dma source(%arg5 : memref<8x256xf32, #tpu.memory_space<vmem>>) target(%dma_start3A_11 : memref<8x256xf32, #tpu.memory_space<hbm>>) target_semaphore(%run_scoped3A : memref<!tpu.dma_semaphore, #tpu.memory_space<semaphore_mem>>)
      %dma_wait3A = arith.constant 0 : i32
      %dma_wait3A_12 = tpu.memref_slice %arg3[%dma_wait3A, %mul3A_2] : memref<8x8192xf32, #tpu.memory_space<hbm>> -> memref<8x256xf32, #tpu.memory_space<hbm>>
      %dma_wait3A_13 = arith.constant 0 : i32
      %dma_wait3A_14 = tpu.memref_slice %arg3[%dma_wait3A_13, %mul3A_2] : memref<8x8192xf32, #tpu.memory_space<hbm>> -> memref<8x256xf32, #tpu.memory_space<hbm>>
      tpu.wait_dma2 semaphore(%run_scoped3A : memref<!tpu.dma_semaphore, #tpu.memory_space<semaphore_mem>>) src(%arg5 : memref<8x256xf32, #tpu.memory_space<vmem>>) dst(%dma_wait3A_14 : memref<8x256xf32, #tpu.memory_space<hbm>>)
      tpu.yield
    }) : () -> ()
    return
  }
}

module attributes {stable_mosaic.version = 14 : i64} {
  func.func @_logits_kernel(%arg0: i32, %arg1: memref<256x4096xf32, #tpu.memory_space<vmem>>, %arg2: memref<32x4096xbf16, #tpu.memory_space<vmem>>, %arg3: memref<32x256xf32, #tpu.memory_space<vmem>>) attributes {dimension_semantics = [#tpu.dimension_semantics<arbitrary>], iteration_bounds = array<i64: 32>, scalar_prefetch = 0 : i64, scratch_operands = 0 : i64, tpu.core_type = #tpu.core_type<tc>, window_params = [{transform_indices = @transform_0, window_bounds = array<i64: 256, 4096>}, {pipeline_mode = #tpu.pipeline_mode<synchronous>, transform_indices = @transform_1, window_bounds = array<i64: 32, 4096>}, {transform_indices = @transform_2, window_bounds = array<i64: 32, 256>}]} {
    %get3A = arith.constant 0 : index
    %get3A_0 = arith.constant 0 : index
    %get3A_1 = vector.load %arg1[%get3A, %get3A_0] : memref<256x4096xf32, #tpu.memory_space<vmem>>, vector<256x4096xf32>
    %convert_element_type3A = arith.truncf %get3A_1 : vector<256x4096xf32> to vector<256x4096xbf16>
    %get3A_2 = arith.constant 0 : index
    %get3A_3 = arith.constant 0 : index
    %get3A_4 = vector.load %arg2[%get3A_2, %get3A_3] : memref<32x4096xbf16, #tpu.memory_space<vmem>>, vector<32x4096xbf16>
    %dot_general3A = arith.constant dense<0.000000e+00> : vector<32x256xf32>
    %dot_general3A_5 = tpu.matmul %get3A_4, %convert_element_type3A, %dot_general3A {dimension_numbers = #tpu.dot_dimension_numbers<[1], [1], [0], [0], [0, 0, 1, 0], [], []>, transpose_lhs_hint = false} : vector<32x4096xbf16>, vector<256x4096xbf16>, vector<32x256xf32> -> vector<32x256xf32>
    %iota3A = tpu.iota {dimensions = array<i32: 0>} : vector<32x256xi32>
    %lt3A = arith.constant 28 : i32
    %lt3A_6 = vector.broadcast %lt3A : i32 to vector<32x256xi32>
    %lt3A_7 = arith.cmpi slt, %iota3A, %lt3A_6 : vector<32x256xi32>
    %jit3A = arith.constant -3.000000e+38 : f32
    %broadcast_in_dim3A = vector.broadcast %jit3A : f32 to vector<32x256xf32>
    %select_n3A = arith.select %lt3A_7, %dot_general3A_5, %broadcast_in_dim3A : vector<32x256xi1>, vector<32x256xf32>
    %swap3A = arith.constant 0 : index
    %swap3A_8 = arith.constant 0 : index
    %swap3A_9 = vector.load %arg3[%swap3A, %swap3A_8] : memref<32x256xf32, #tpu.memory_space<vmem>>, vector<32x256xf32>
    tpu.vector_store %arg3[%swap3A, %swap3A_8], %select_n3A {strides = array<i32>} : memref<32x256xf32, #tpu.memory_space<vmem>>, vector<32x256xf32>,
    return
  }
  func.func @transform_0(%arg0: i32) -> (i32, i32) {
    %c0_i32 = arith.constant 0 : i32
    %c0_i32_0 = arith.constant 0 : i32
    return %arg0, %c0_i32 : i32, i32
  }
  func.func @transform_1(%arg0: i32) -> (i32, i32) {
    %c0_i32 = arith.constant 0 : i32
    %c0_i32_0 = arith.constant 0 : i32
    %c0_i32_1 = arith.constant 0 : i32
    return %c0_i32, %c0_i32_0 : i32, i32
  }
  func.func @transform_2(%arg0: i32) -> (i32, i32) {
    %c0_i32 = arith.constant 0 : i32
    %c0_i32_0 = arith.constant 0 : i32
    return %c0_i32, %arg0 : i32, i32
  }
}

module attributes {stable_mosaic.version = 14 : i64} {
  func.func @_main_kernel(%arg0: i32, %arg1: memref<256x4096xf32, #tpu.memory_space<vmem>>, %arg2: memref<8x256xf32, #tpu.memory_space<vmem>>, %arg3: memref<4096x224xbf16, #tpu.memory_space<vmem>>, %arg4: memref<4096x4096xbf16, #tpu.memory_space<vmem>>, %arg5: memref<224x4096xbf16, #tpu.memory_space<vmem>>, %arg6: memref<256x4096xf32, #tpu.memory_space<vmem>>) attributes {dimension_semantics = [#tpu.dimension_semantics<arbitrary>], iteration_bounds = array<i64: 32>, scalar_prefetch = 0 : i64, scratch_operands = 0 : i64, tpu.core_type = #tpu.core_type<tc>, window_params = [{transform_indices = @transform_0, window_bounds = array<i64: 256, 4096>}, {transform_indices = @transform_1, window_bounds = array<i64: 8, 256>}, {pipeline_mode = #tpu.pipeline_mode<synchronous>, transform_indices = @transform_2, window_bounds = array<i64: 4096, 224>}, {pipeline_mode = #tpu.pipeline_mode<synchronous>, transform_indices = @transform_3, window_bounds = array<i64: 4096, 4096>}, {pipeline_mode = #tpu.pipeline_mode<synchronous>, transform_indices = @transform_4, window_bounds = array<i64: 224, 4096>}, {transform_indices = @transform_5, window_bounds = array<i64: 256, 4096>}]} {
    %get3A = arith.constant 0 : index
    %get3A_0 = arith.constant 0 : index
    %get3A_1 = vector.load %arg1[%get3A, %get3A_0] : memref<256x4096xf32, #tpu.memory_space<vmem>>, vector<256x4096xf32>
    %convert_element_type3A = arith.truncf %get3A_1 : vector<256x4096xf32> to vector<256x4096xbf16>
    %get3A_2 = arith.constant 0 : index
    %get3A_3 = arith.constant 0 : index
    %get3A_4 = vector.load %arg2[%get3A_2, %get3A_3] : memref<8x256xf32, #tpu.memory_space<vmem>>, vector<1x256xf32>
    %reshape3A = vector.shape_cast %get3A_4 : vector<1x256xf32> to vector<256x1xf32>
    %get3A_5 = arith.constant 1 : index
    %get3A_6 = arith.constant 0 : index
    %get3A_7 = vector.load %arg2[%get3A_5, %get3A_6] : memref<8x256xf32, #tpu.memory_space<vmem>>, vector<1x256xf32>
    %reshape3A_8 = vector.shape_cast %get3A_7 : vector<1x256xf32> to vector<256x1xf32>
    %get3A_9 = arith.constant 2 : index
    %get3A_10 = arith.constant 0 : index
    %get3A_11 = vector.load %arg2[%get3A_9, %get3A_10] : memref<8x256xf32, #tpu.memory_space<vmem>>, vector<1x256xf32>
    %reshape3A_12 = vector.shape_cast %get3A_11 : vector<1x256xf32> to vector<256x1xf32>
    %convert_element_type3A_13 = arith.fptosi %reshape3A_12 : vector<256x1xf32> to vector<256x1xi32>
    %get3A_14 = arith.constant 3 : index
    %get3A_15 = arith.constant 0 : index
    %get3A_16 = vector.load %arg2[%get3A_14, %get3A_15] : memref<8x256xf32, #tpu.memory_space<vmem>>, vector<1x256xf32>
    %reshape3A_17 = vector.shape_cast %get3A_16 : vector<1x256xf32> to vector<256x1xf32>
    %convert_element_type3A_18 = arith.fptosi %reshape3A_17 : vector<256x1xf32> to vector<256x1xi32>
    %iota3A = tpu.iota {dimensions = array<i32: 1>} : vector<256x224xi32>
    %jit3A = arith.constant 8 : i32
    %div3A = vector.broadcast %jit3A : i32 to vector<256x224xi32>
    %div3A_19 = arith.divsi %iota3A, %div3A : vector<256x224xi32>
    %sign3A = arith.constant 0 : i32
    %sign3A_20 = vector.broadcast %sign3A : i32 to vector<256x224xi32>
    %sign3A_21 = arith.cmpi sgt, %iota3A, %sign3A_20 : vector<256x224xi32>
    %sign3A_22 = arith.extui %sign3A_21 : vector<256x224xi1> to vector<256x224xi32>
    %sign3A_23 = arith.constant 0 : i32
    %sign3A_24 = vector.broadcast %sign3A_23 : i32 to vector<256x224xi32>
    %sign3A_25 = arith.cmpi slt, %iota3A, %sign3A_24 : vector<256x224xi32>
    %sign3A_26 = arith.extui %sign3A_25 : vector<256x224xi1> to vector<256x224xi32>
    %sign3A_27 = arith.subi %sign3A_22, %sign3A_26 : vector<256x224xi32>
    %sign3A_28 = arith.constant 0 : i32
    %sign3A_29 = arith.cmpi sgt, %jit3A, %sign3A_28 : i32
    %sign3A_30 = arith.extui %sign3A_29 : i1 to i32
    %sign3A_31 = arith.constant 0 : i32
    %sign3A_32 = arith.cmpi slt, %jit3A, %sign3A_31 : i32
    %sign3A_33 = arith.extui %sign3A_32 : i1 to i32
    %sign3A_34 = arith.subi %sign3A_30, %sign3A_33 : i32
    %ne3A = vector.broadcast %sign3A_34 : i32 to vector<256x224xi32>
    %ne3A_35 = arith.cmpi ne, %sign3A_27, %ne3A : vector<256x224xi32>
    %rem3A = vector.broadcast %jit3A : i32 to vector<256x224xi32>
    %rem3A_36 = arith.remsi %iota3A, %rem3A : vector<256x224xi32>
    %ne3A_37 = arith.constant 0 : i32
    %ne3A_38 = vector.broadcast %ne3A_37 : i32 to vector<256x224xi32>
    %ne3A_39 = arith.cmpi ne, %rem3A_36, %ne3A_38 : vector<256x224xi32>
    %and3A = arith.andi %ne3A_35, %ne3A_39 : vector<256x224xi1>
    %sub3A = arith.constant 1 : i32
    %sub3A_40 = vector.broadcast %sub3A : i32 to vector<256x224xi32>
    %sub3A_41 = arith.subi %div3A_19, %sub3A_40 : vector<256x224xi32>
    %select_n3A = arith.select %and3A, %sub3A_41, %div3A_19 : vector<256x224xi1>, vector<256x224xi32>
    %eq3A = vector.broadcast %convert_element_type3A_13 : vector<256x1xi32> to vector<256x224xi32>
    %eq3A_42 = arith.cmpi eq, %select_n3A, %eq3A : vector<256x224xi32>
    %jit3A_43 = arith.constant 0.000000e+00 : f32
    %broadcast_in_dim3A = vector.shape_cast %reshape3A : vector<256x1xf32> to vector<256x1xf32>
    %broadcast_in_dim3A_44 = vector.broadcast %broadcast_in_dim3A : vector<256x1xf32> to vector<256x224xf32>
    %broadcast_in_dim3A_45 = vector.broadcast %jit3A_43 : f32 to vector<256x224xf32>
    %select_n3A_46 = arith.select %eq3A_42, %broadcast_in_dim3A_44, %broadcast_in_dim3A_45 : vector<256x224xi1>, vector<256x224xf32>
    %eq3A_47 = vector.broadcast %convert_element_type3A_18 : vector<256x1xi32> to vector<256x224xi32>
    %eq3A_48 = arith.cmpi eq, %select_n3A, %eq3A_47 : vector<256x224xi32>
    %jit3A_49 = arith.constant 0.000000e+00 : f32
    %broadcast_in_dim3A_50 = vector.shape_cast %reshape3A_8 : vector<256x1xf32> to vector<256x1xf32>
    %broadcast_in_dim3A_51 = vector.broadcast %broadcast_in_dim3A_50 : vector<256x1xf32> to vector<256x224xf32>
    %broadcast_in_dim3A_52 = vector.broadcast %jit3A_49 : f32 to vector<256x224xf32>
    %select_n3A_53 = arith.select %eq3A_48, %broadcast_in_dim3A_51, %broadcast_in_dim3A_52 : vector<256x224xi1>, vector<256x224xf32>
    %add3A = arith.addf %select_n3A_46, %select_n3A_53 : vector<256x224xf32>
    %get3A_54 = arith.constant 0 : index
    %get3A_55 = arith.constant 0 : index
    %get3A_56 = vector.load %arg3[%get3A_54, %get3A_55] : memref<4096x224xbf16, #tpu.memory_space<vmem>>, vector<4096x224xbf16>
    %dot_general3A = arith.constant dense<0.000000e+00> : vector<256x224xf32>
    %dot_general3A_57 = tpu.matmul %convert_element_type3A, %get3A_56, %dot_general3A {dimension_numbers = #tpu.dot_dimension_numbers<[1], [0], [0], [1], [0, 0, 1, 1], [], []>, transpose_lhs_hint = false} : vector<256x4096xbf16>, vector<4096x224xbf16>, vector<256x224xf32> -> vector<256x224xf32>
    %mul3A = arith.mulf %dot_general3A_57, %add3A : vector<256x224xf32>
    %convert_element_type3A_58 = arith.truncf %mul3A : vector<256x224xf32> to vector<256x224xbf16>
    %get3A_59 = arith.constant 0 : index
    %get3A_60 = arith.constant 0 : index
    %get3A_61 = vector.load %arg4[%get3A_59, %get3A_60] : memref<4096x4096xbf16, #tpu.memory_space<vmem>>, vector<4096x4096xbf16>
    %dot_general3A_62 = arith.constant dense<0.000000e+00> : vector<256x4096xf32>
    %dot_general3A_63 = tpu.matmul %convert_element_type3A, %get3A_61, %dot_general3A_62 {dimension_numbers = #tpu.dot_dimension_numbers<[1], [0], [0], [1], [0, 0, 1, 1], [], []>, transpose_lhs_hint = false} : vector<256x4096xbf16>, vector<4096x4096xbf16>, vector<256x4096xf32> -> vector<256x4096xf32>
    %get3A_64 = arith.constant 0 : index
    %get3A_65 = arith.constant 0 : index
    %get3A_66 = vector.load %arg5[%get3A_64, %get3A_65] : memref<224x4096xbf16, #tpu.memory_space<vmem>>, vector<224x4096xbf16>
    %dot_general3A_67 = arith.constant dense<0.000000e+00> : vector<256x4096xf32>
    %dot_general3A_68 = tpu.matmul %convert_element_type3A_58, %get3A_66, %dot_general3A_67 {dimension_numbers = #tpu.dot_dimension_numbers<[1], [0], [0], [1], [0, 0, 1, 1], [], []>, transpose_lhs_hint = false} : vector<256x224xbf16>, vector<224x4096xbf16>, vector<256x4096xf32> -> vector<256x4096xf32>
    %add3A_69 = arith.addf %dot_general3A_63, %dot_general3A_68 : vector<256x4096xf32>
    %swap3A = arith.constant 0 : index
    %swap3A_70 = arith.constant 0 : index
    %swap3A_71 = vector.load %arg6[%swap3A, %swap3A_70] : memref<256x4096xf32, #tpu.memory_space<vmem>>, vector<256x4096xf32>
    tpu.vector_store %arg6[%swap3A, %swap3A_70], %add3A_69 {strides = array<i32>} : memref<256x4096xf32, #tpu.memory_space<vmem>>, vector<256x4096xf32>,
    return
  }
  func.func @transform_0(%arg0: i32) -> (i32, i32) {
    %c0_i32 = arith.constant 0 : i32
    %c0_i32_0 = arith.constant 0 : i32
    return %arg0, %c0_i32 : i32, i32
  }
  func.func @transform_1(%arg0: i32) -> (i32, i32) {
    %c0_i32 = arith.constant 0 : i32
    %c0_i32_0 = arith.constant 0 : i32
    return %c0_i32, %arg0 : i32, i32
  }
  func.func @transform_2(%arg0: i32) -> (i32, i32) {
    %c0_i32 = arith.constant 0 : i32
    %c0_i32_0 = arith.constant 0 : i32
    %c0_i32_1 = arith.constant 0 : i32
    return %c0_i32, %c0_i32_0 : i32, i32
  }
  func.func @transform_3(%arg0: i32) -> (i32, i32) {
    %c0_i32 = arith.constant 0 : i32
    %c0_i32_0 = arith.constant 0 : i32
    %c0_i32_1 = arith.constant 0 : i32
    return %c0_i32, %c0_i32_0 : i32, i32
  }
  func.func @transform_4(%arg0: i32) -> (i32, i32) {
    %c0_i32 = arith.constant 0 : i32
    %c0_i32_0 = arith.constant 0 : i32
    %c0_i32_1 = arith.constant 0 : i32
    return %c0_i32, %c0_i32_0 : i32, i32
  }
  func.func @transform_5(%arg0: i32) -> (i32, i32) {
    %c0_i32 = arith.constant 0 : i32
    %c0_i32_0 = arith.constant 0 : i32
    return %arg0, %c0_i32 : i32, i32
  }
}

</mosaic_0001>

<sc_bundles>
// kernel: kernel.5.cloned.1.call-start
scs
__scs_entry_jumppad:
0x0: {  	(pc) =	sbr.rel $0x88, $3  }
0x1: {  	(tag) =	ssettag $0x0;
	lr =	simm.s32 $0x1  }
0x2: {  	[smem:$0x3F9C] =	sst lr;
	_ =	strace $0xD0000000  }
0x3: {  	_ = 	snop  }
0x4: {  	_ = 	snop  }
0x5: {  	_ = 	snop  }
0x6: {  	_ = 	snop  }
0x7: {  	_ = 	snop  }
__scs_overlays_trampoline_lowered:
0x8: {  	[smem:$0x3FAB] =	sst s0  }
0x9: {  	[smem:$0x3FAC] =	sst s1  }
0xa: {  	[smem:$0x3FAD] =	sst s2  }
0xb: {  	[smem:$0x3FAE] =	sst s3  }
0xc: {  	[smem:$0x3FAF] =	sst s4  }
0xd: {  	[smem:$0x3FB0] =	sst s5  }
0xe: {  	[smem:$0x3FB1] =	sst s6  }
0xf: {  	[smem:$0x3FB2] =	sst s7  }
0x10: {  	[smem:$0x3FB3] =	sst s8  }
0x11: {  	[smem:$0x3FB4] =	sst s9;
	s0 =	simm.s32 @!p0 $0x0  }
0x12: {  	s1 =	sld [smem:$0x3F9A];
	s0 =	simm.s32 @p0 $0x1  }
0x13: {  	[smem:$0x3FB5] =	sst s0;
	s0 =	simm.s32 @!p1 $0x0  }
0x14: {  	s2 =	sld [smem:$0x3F99];
	s0 =	simm.s32 @p1 $0x1  }
0x15: {  	[smem:$0x3FB6] =	sst s0;
	s0 =	simm.s32 @!p2 $0x0  }
0x16: {  	s3 =	sld [smem:$0x3FDB];
	s0 =	simm.s32 @p2 $0x1  }
0x17: {  	s4 =	simm.s32 $0x1BF5;
	[smem:$0x3FB8] =	sst s0  }
0x18: {  	s0 =	sld [smem:$0x3F9B];
	_ =	swait.ge [sflag:s4], $0x0  }
0x19: {  	s7 =	sld [smem:$0x3F9C]  }
0x1a: {  	s8 =	sadd.s32 $0xFFFFE003, lr  }
0x1b: {  	s9 =	sadd.s32 $0xFFFFFEF7, lr;
	s5 =	simm.s32 $0xFFFFFFFF;
	p2 =	slt.u32 s8, $0xFFFFF086  }
0x1c: {  	p1 =	slt.u32 s9, $0xF7A;
	s5 =	simm.s32 @!p2 $0x0  }
0x1d: {  	s5 =	simm.s32 @p1 $0x1;
	p0 =	seq.s32 s7, s2  }
0x1e: {  	s7 =	smul.u32 @!p0 $0xF7A, s2;
	p2 =	seq.s32 @!p0 s5, $0x0  }
0x1f: {  	s9 =	smul.u32 $0xF7A, s1;
	s8 =	simm.s32 @!p0 $0x1BF5;
	p2 =	por !p2, p0  }
0x20: {  	[sflag:s8] =	ssyncset.s32 @!p0 $0xFFFFF086;
	s6 =	sadd.s32 @!p0 s3, s7;
	s7 =	simm.s32 @!p0 $0x108  }
0x21: {  	s3 =	sadd.s32 s3, s9;
	s6 =	sadd.s32 @!p0 $0x88, s6;
	s7 =	simm.s32 @p2 $0x1082  }
0x22: {  	[simem:s7], [sflag:s8] =	dma.local @!p0 [hbm:s6], $0xF7A  }
0x23: {  	s9 =	sor.u32 $0xD0000000, s2;
	s6 =	simm.s32 $0x108;
	_ =	swait.ge @!p0 [sflag:s8], $0x0  }
0x24: {  	s3 =	sadd.s32 $0x88, s3;
	s6 =	simm.s32 @!p1 $0x1082;
	[sflag:s4] =	ssyncset.s32 $0xFFFFF086  }
0x25: {  	[simem:s6], [sflag:s4] =	dma.local [hbm:s3], $0xF7A  }
0x26: {  	[smem:$0x3F9C] =	sst s1;
	(tag) =	ssettag s2;
	_ =	strace s9  }
0x27: {  	s1 =	sld [smem:$0x3FAC]  }
0x28: {  	s2 =	sld [smem:$0x3FAD]  }
0x29: {  	s4 =	sld [smem:$0x3FAF]  }
0x2a: {  	p0 =	seq.s32 s5, $0x0;
	s5 =	sld [smem:$0x3FB0]  }
0x2b: {  	s6 =	sld [smem:$0x3FB1]  }
0x2c: {  	s7 =	sld [smem:$0x3FB2]  }
0x2d: {  	s3 =	simm.s32 $0x108;
	s8 =	sld [smem:$0x3FB3]  }
0x2e: {  	s3 =	simm.s32 @!p0 $0x1082;
	s9 =	sld [smem:$0x3FB4]  }
0x2f: {  	lr =	sadd.s32 s0, s3;
	s0 =	sld [smem:$0x3FAB]  }
0x30: {  	s3 =	sld [smem:$0x3FAE]  }
0x31: {  	[smem:$0x3FB7] =	sst s10  }
0x32: {  	s10 =	sld [smem:$0x3FB5];
	_ =	sdelay $0x3  }
0x33: {  	p0 =	seq.s32 s10, $0x1;
	s10 =	sld [smem:$0x3FB7];
	_ =	sdelay $0x3  }
0x34: {  	[smem:$0x3FB7] =	sst s10  }
0x35: {  	s10 =	sld [smem:$0x3FB6];
	_ =	sdelay $0x3  }
0x36: {  	p1 =	seq.s32 s10, $0x1;
	s10 =	sld [smem:$0x3FB7];
	_ =	sdelay $0x3  }
0x37: {  	[smem:$0x3FB7] =	sst s10  }
0x38: {  	s10 =	sld [smem:$0x3FB8]  }
0x39: {  	_ = 	snop;
	(pc) =	sbr.ind lr, $3  }
0x3a: {  	_ = 	snop  }
0x3b: {  	_ = 	snop  }
0x3c: {  	p2 =	seq.s32 s10, $0x1;
	s10 =	sld [smem:$0x3FB7]  }
0x3d: {  	_ =	shalt  }
0x3e: {  	_ =	shalt  }
0x3f: {  	_ =	shalt  }
0x40: {  	_ =	shalt  }
0x41: {  	_ =	shalt  }
0x42: {  	_ =	shalt  }
0x43: {  	_ =	shalt  }
0x44: {  	_ =	shalt  }
0x45: {  	_ =	shalt  }
0x46: {  	_ =	shalt  }
0x47: {  	_ =	shalt  }
0x48: {  	_ =	shalt  }
0x49: {  	_ =	shalt  }
0x4a: {  	_ =	shalt  }
0x4b: {  	_ =	shalt  }
0x4c: {  	_ =	shalt  }
0x4d: {  	_ =	shalt  }
0x4e: {  	_ =	shalt  }
0x4f: {  	_ =	shalt  }
0x50: {  	_ =	shalt  }
0x51: {  	_ =	shalt  }
0x52: {  	_ =	shalt  }
0x53: {  	_ =	shalt  }
0x54: {  	_ =	shalt  }
0x55: {  	_ =	shalt  }
0x56: {  	_ =	shalt  }
0x57: {  	_ =	shalt  }
0x58: {  	_ =	shalt  }
0x59: {  	_ =	shalt  }
0x5a: {  	_ =	shalt  }
0x5b: {  	_ =	shalt  }
0x5c: {  	_ =	shalt  }
0x5d: {  	_ =	shalt  }
0x5e: {  	_ =	shalt  }
0x5f: {  	_ =	shalt  }
0x60: {  	_ =	shalt  }
0x61: {  	_ =	shalt  }
0x62: {  	_ =	shalt  }
0x63: {  	_ =	shalt  }
0x64: {  	_ =	shalt  }
0x65: {  	_ =	shalt  }
0x66: {  	_ =	shalt  }
0x67: {  	_ =	shalt  }
0x68: {  	_ =	shalt  }
0x69: {  	_ =	shalt  }
0x6a: {  	_ =	shalt  }
0x6b: {  	_ =	shalt  }
0x6c: {  	_ =	shalt  }
0x6d: {  	_ =	shalt  }
0x6e: {  	_ =	shalt  }
0x6f: {  	_ =	shalt  }
0x70: {  	_ =	shalt  }
0x71: {  	_ =	shalt  }
0x72: {  	_ =	shalt  }
0x73: {  	_ =	shalt  }
0x74: {  	_ =	shalt  }
0x75: {  	_ =	shalt  }
0x76: {  	_ =	shalt  }
0x77: {  	_ =	shalt  }
0x78: {  	_ =	shalt  }
0x79: {  	_ =	shalt  }
0x7a: {  	_ =	shalt  }
0x7b: {  	_ =	shalt  }
0x7c: {  	_ =	shalt  }
0x7d: {  	_ =	shalt  }
0x7e: {  	_ =	shalt  }
0x7f: {  	_ =	shalt  }
0x80: {  	_ =	shalt  }
0x81: {  	_ =	shalt  }
0x82: {  	_ =	shalt  }
0x83: {  	_ =	shalt  }
0x84: {  	_ =	shalt  }
0x85: {  	_ =	shalt  }
0x86: {  	_ =	shalt  }
0x87: {  	_ =	shalt  }
.Lfunc_end0:
.L_simem_size_0:
called_computation_lowered:
.L_overlay_start_0:
0x88: {  	s2 =	sld [smem:$0x3FD9]  }
0x89: {  	s3 =	sld [smem:$0x3FFE];
	_ =	sdelay $0x1  }
0x8a: {  	s1 =	srdreg.scid  }
0x8b: {  	s0 =	sand.u32 $0x1, s1  }
0x8c: {  	s17 =	sshll.u32 s0, $0xA;
	s2 =	sadd.s32 s3, s2  }
0x8d: {  	s2 =	sadd.s32 s2, s17  }
0x8e: {  	[smem:$0x3FC3] =	sst s2  }
0x8f: {  	_ = 	snop  }
0x90: {  	s2 =	sld [smem:$0x3FD0];
	(tm) =	ssettm $0x1  }
0x91: {  	s18 =	sld [smem:$0x3FFB];
	_ =	sdelay $0x3  }
0x92: {  	_ =	strace s18  }
0x93: {  	s3 =	sld [smem:$0x3FFC];
	_ =	sdelay $0x3  }
0x94: {  	_ =	strace s3  }
0x95: {  	s3 =	sld [smem:$0x3FFD];
	_ =	sdelay $0x3  }
0x96: {  	_ =	strace s3  }
0x97: {  	_ =	strace $0x8FFFFFFF  }
0x98: {  	s19 =	sld [smem:$0x3FDB];
	_ =	sdelay $0x1  }
0x99: {  	s4 =	simm.s32 $_scs_section_size  }
0x9a: {  	s5 =	simm.s32 $_size__tile_overlayer_lowered;
	s6 =	simm.s32 $_tile_overlayer_lowered  }
0x9b: {  	s22 =	simm.s32 $0x1BFF;
	s21 =	sshll.u32 s6, $0x1;
	s3 =	sadd.s32 s4, s19  }
0x9c: {  	s7 =	simm.s32 $0x0;
	s20 =	sshll.u32 s5, $0x1;
	s5 =	sadd.s32 s21, s3  }
0x9d: {  	[timem:s7], [sflag:s22] =	dma.local [hbm:s5], s20  }
0x9e: {  	_ =	swait.ge [sflag:s22], s20  }
0x9f: {  	s4 =	ssub.s32 $0x0, s20;
	[sflag:s22] =	ssyncset.done $0x0  }
0xa0: {  	[sflag:s22] =	ssyncadd.s32 s4;
	_ =	sdelay $0x1  }
0xa1: {  	s23 =	simm.s32 $0x1B8B  }
0xa2: {  	_ =	swait.ge [sflag:s23], $0x1  }
0xa3: {  	[sflag:s23] =	ssyncset.done $0x0  }
0xa4: {  	s25 =	simm.s32 $0x1B8E;
	s24 =	sld [smem:$0x3FFE];
	[sflag:s23] =	ssyncadd.s32 $0xFFFFFFFF  }
0xa5: {  	s26 =	simm.s32 $execute0_lowered;
	[smem:$0x3FD2] =	sst s25  }
0xa6: {  	s5 =	sshll.u32 s26, $0x1;
	_ =	strace $0x80000046;
	[dreg:$0x1] =	wrdreg $0xFFFFFFFF  }
0xa7: {  	s28 =	simm.s32 $_size_execute0_lowered;
	s3 =	sadd.s32 s3, s5;
	[dreg:$0x0] =	wrdreg $0x0  }
0xa8: {  	s5 =	sshll.u32 s28, $0x1;
	[dreg:$0x2] =	wrdreg s3  }
0xa9: {  	[dreg:$0x3] =	wrdreg s5  }
0xaa: {  	[dreg:$0x4] =	wrdreg $0xC0  }
0xab: {  	_ =	task [dreg:s7], $0x5FFFF  }
0xac: {  	[dreg:$0x1] =	wrdreg $0xFFFFFFFF  }
0xad: {  	[dreg:$0x0] =	wrdreg $0x60  }
0xae: {  	[dreg:$0x2] =	wrdreg s2  }
0xaf: {  	[dreg:$0x3] =	wrdreg s24  }
0xb0: {  	[dreg:$0x4] =	wrdreg $0x9  }
0xb1: {  	_ =	task.clear_ibuf [dreg:s7], $0x5FFFF;
	_ =	strace $0x90000046  }
0xb2: {  	s29 =	simm.s32 $0x9;
	_ =	strace $0x80000048  }
0xb3: {  	_ =	swait.ge [sflag:s29], $0x1  }
0xb4: {  	[sflag:s29] =	ssyncadd.s32 $0xFFFFFFFF  }
0xb5: {  	_ =	strace $0x90000048  }
0xb6: {  	_ =	sfence  }
0xb7: {  	s30 =	sld [smem:$0x0];
	_ =	sdelay $0x2  }
0xb8: {  	s31 =	sshll.u32 s1, $0xD;
	s1 =	sshrl.u32 s1, $0x2  }
0xb9: {  	s3 =	sand.u32 $0x4000, s31;
	s1 =	sadd.s32 s1, s30  }
0xba: {  	s0 =	sor.u32 s3, s0;
	s1 =	sshll.u32 s1, $0x11  }
0xbb: {  	s0 =	sor.u32 s1, s0  }
0xbc: {  	s0 =	sadd.s32 $0x8F2B, s0  }
0xbd: {  	[sflag:s0] =	ssyncadd.remote.s32 $0x1  }
0xbe: {  	_ =	sfence.sel $0xFFFF  }
0xbf: {  	[dreg:$0x0] =	wrdreg $0xFFFFFFFF;
	(pc) =	sbr.abs _section_cstart, $3  }
0xc0: {  	[dreg:$0x1] =	wrdreg $0xFFFFFFFF  }
0xc1: {  	_ =	task.clear_ibuf [dreg:s7], $0x2FFFF;
	_ =	strace $0x9FFFFFFF  }
0xc2: {  	(tm) =	ssettm $0x7FFFFFFF  }
0xc3: {  	_ =	shalt  }
tec
execute0_lowered:
.L_overlay_start_1:
0x0: {  	(tag) =	ssettag $0x1  }
0x1: {  	s3 =	rddreg [dreg:$0x0]  }
0x2: {  	s4 =	rddreg [dreg:$0x1];
	s2 =	srdreg.scid  }
0x3: {  	s0 =	rddreg [dreg:$0x2];
	s1 =	stileid.u32;
	s8 =	simm.s32 $0x1  }
0x4: {  	s9 =	simm.s32 $0x2000;
	s10 =	simm.s32 $0x0;
	s5 =	sand.u32 $0x1, s2  }
0x5: {  	s2 =	simm.s32 $0x0;
	s6 =	sshll.u32 s1, $0x9;
	s7 =	sshll.u32 s5, $0x8  }
0x6: {  	[smem:$0x7FF] =	sst s2;
	s5 =	ssub.s32 $0x2, s5;
	s6 =	sor.u32 s7, s6  }
0x7: {  	_ =	strace $0x80000047;
	s31 =	sshrl.u32 s5, $0x1;
	s7 =	simm.s32 $0x10000  }
0x8: {  	s4 =	sadd.s32 s6, s4;
	s5 =	ssub.s32 s5, s31;
	s3 =	sadd.s32 s3, s6  }
0x9: {  	s6 =	simm.s32 $0x800;
	s4 =	sadd.s32 $0xA00, s4;
	s5 =	smax.u32 s5, $0x1  }
.LBB2_1:
0xa: {  	[tilespmem:s2], [sflag:$0x1] =	stream.strided.gather [hbm4b:s3+s6], $0x2000, s7, s6, $0x38;
	[tilespmem:$0x2800] =	vst v63  }
0xb: {  	_ =	swait.ge [sflag:s8], $0x2000  }
0xc: {  	[sflag:s8] =	ssyncset.done $0x0  }
0xd: {  	s11 =	simm.s32 $0x0;
	[sflag:s8] =	ssyncadd.s32 $0xFFFFE000  }
.LBB2_2:
0xe: {  	s12 =	sshll.u32 s11, $0x4  }
0xf: {  	s14 =	sand.u32 $0x70, s12  }
0x10: {  	v0 =	vmov s14  }
0x11: {  	s13 =	sshll.u32 s11, $0x7;
	s16 =	simm.s32 $0x0  }
0x12: {  	s15 =	sand.u32 $0x400, s13;
	s17 =	sand.u32 $0x1800, s16  }
0x13: {  	s18 =	sand.u32 $0x380, s16;
	s17 =	sor.u32 s17, s15  }
0x14: {  	s17 =	sadd.s32 s18, s17  }
0x15: {  	v4 =	vld.idx.msk [tilespmem:v0+s17+$0x0 ss:$0x1], $0xffff;
	_ =	sdelay $0x2  }
0x16: {  	s30 =	simm.s32 $0x100  }
0x17: {  	v6 =	vimm.f32 $-3.000000010e+38;
	s31 =	simm.s32 $0x80;
	s17 =	sand.u32 $0x1800, s30  }
0x18: {  	v1 =	vimm.s32 $0x0;
	s18 =	sand.u32 $0x380, s31;
	s19 =	sor.u32 s17, s15;
	vm1 =	vgt.f32 v4, v6  }
0x19: {  	s20 =	simm.s32 $0x200;
	s19 =	sadd.s32 s18, s19;
	vm0 =	vgt.f32 v4, v6;
	v2 =	vsel vm1, v4, v6;
	v7 =	vsel vm1, s16, v1  }
0x1a: {  	s17 =	simm.s32 $0x1;
	s18 =	simm.s32 $0x2;
	v3 =	vld.idx.msk [tilespmem:v0+s19+$0x0 ss:$0x1], $0xffff;
	s19 =	simm.s32 $0x100;
	v4 =	vsel vm0, v4, v6;
	v5 =	vsel vm0, v6, v2;
	v2 =	vsel vm0, v1, v7  }
.LBB2_3:
0x1b: {  	s21 =	sand.u32 $0x1800, s20;
	p0 =	sne.s32 s18, $0x1B  }
0x1c: {  	v1 =	vsel vm0, s16, v1;
	s16 =	smov.u32 s17;
	s17 =	smov.u32 s18;
	s18 =	sadd.s32 $0x1, s18  }
.Ltmp0:
0x1d: {  	s22 =	sand.u32 $0x380, s19;
	s21 =	sor.u32 s21, s15;
	(pc) =	sbr.rel @p0 .LBB2_3-.Ltmp0, $4  }
0x1e: {  	s21 =	sadd.s32 s22, s21  }
0x1f: {  	vm1 =	vgt.f32 v3, v5;
	v6 =	vmov v3;
	v3 =	vld.idx.msk [tilespmem:v0+s21+$0x0 ss:$0x1], $0xffff  }
0x20: {  	vm0 =	vgt.f32 v6, v4;
	v5 =	vsel vm1, v6, v5;
	v2 =	vsel vm1, s16, v2  }
0x21: {  	s19 =	sadd.s32 $0x80, s19;
	s20 =	sadd.s32 $0x100, s20;
	v5 =	vsel vm0, v4, v5;
	v2 =	vsel vm0, v1, v2;
	v4 =	vsel vm0, v6, v4  }
0x22: {  	_ =	sdelay $0x1  }
0x23: {  	vm1 =	vgt.f32 v3, v5  }
0x24: {  	vm2 =	vgt.f32 v3, v4;
	v0 =	vsel vm1, v3, v5  }
0x25: {  	v58 =	vsel vm2, v3, v4;
	v0 =	vsel vm2, v4, v0  }
0x26: {  	v0 =	vsub.f32 v0, v58;
	_ =	sdelay $0x1  }
0x27: {  	v0 =	vmul.f32 $1.442695020e+00, v0;
	_ =	sdelay $0x1  }
0x28: {  	(erf) = vpow2.f32 v0;
	_ =	sdelay $0x8  }
0x29: {  	v0 =	vpop (erf)  }
0x2a: {  	v0 =	vadd.f32 $1.000000000e+00, v0;
	_ =	sdelay $0x1  }
0x2b: {  	(erf) = vrcp.f32 v0;
	_ =	sdelay $0x3  }
0x2c: {  	v59 =	vsel vm0, s16, v1  }
0x2d: {  	v2 =	vsel vm1, s17, v2;
	v61 =	vsel vm2, s17, v59  }
0x2e: {  	v63 =	vcvt.s32.f32 v61;
	v0 =	vsel vm2, v59, v2  }
0x2f: {  	s14 =	sadd.s32 s14, s15;
	v0 =	vcvt.s32.f32 v0  }
0x30: {  	[tilespmem:s14+$0x2100] =	vst v63  }
0x31: {  	s11 =	sadd.s32 $0x1, s11;
	[tilespmem:s14+$0x2180] =	vst v0;
	v60 =	vpop (erf)  }
0x32: {  	p0 =	sne.s32 s11, $0x10;
	[tilespmem:s14+$0x2000] =	vst v60  }
.Ltmp1:
0x33: {  	v62 =	vsub.f32 $1.000000000e+00, v60;
	[tilespmem:s14+$0x2200] =	vst v60;
	(pc) =	sbr.rel @p0 .LBB2_2-.Ltmp1, $4  }
0x34: {  	[tilespmem:s14+$0x2300] =	vst v60  }
0x35: {  	s12 =	sor.u32 s13, s12;
	[tilespmem:s14+$0x2080] =	vst v62  }
0x36: {  	s12 =	sor.u32 $0x380, s12;
	[tilespmem:s14+$0x2280] =	vst v62  }
0x37: {  	[tilespmem:s12+$0x2000] =	vst v62  }
0x38: {  	s10 =	sadd.s32 $0x1, s10  }
0x39: {  	p0 =	sne.s32 s10, s5  }
.Ltmp2:
0x3a: {  	_ = 	snop;
	(pc) =	sbr.rel @p0 .LBB2_1-.Ltmp2, $4  }
0x3b: {  	[hbm4b:s4+s2] =	stream.linear.scatter [tilespmem:s9], [sflag:$0x1], $0x800, $0x38;
	[tilespmem:$0x2800] =	vst v63  }
0x3c: {  	_ =	swait.ge [sflag:s8], $0x800  }
0x3d: {  	[sflag:s8] =	ssyncset.done $0x0  }
0x3e: {  	[sflag:s8] =	ssyncadd.s32 $0xFFFFF800  }
0x3f: {  	_ =	sfence.sel $0x180000  }
0x40: {  	[bflag:$0x0] =	sbarrier.arrive $0xFFFF  }
0x41: {  	p0 =	sne.s32 s1, $0x0;
	_ =	strace $0x90000047  }
0x42: {  	s0 =	sadd.s32 @!p0 $0x100000, s0;
	[bflag:$0x2] =	sbarrier.arrive $0xFFFF  }
0x43: {  	[sflag:s0] =	ssyncadd.tile.s32 @!p0 $0x1;
	_ =	shalt  }
.Lfunc_end2:
_tile_overlayer_lowered:
.L_overlay_start_2:
0x44: {  	(tag) =	ssettag $0x2  }
0x45: {  	s0 =	rddreg [dreg:$0x0];
	s2 =	stileid.u32  }
0x46: {  	s1 =	rddreg [dreg:$0x1];
	p0 =	sne.s32 s2, $0x0  }
0x47: {  	s3 =	rddreg [dreg:$0x2];
	[bflag:$0x3] =	sbarrier.arrive $0xFFFF;
	s2 =	simm.s32 @!p0 $0x1C01  }
0x48: {  	[timem:s3], [sflag:s2] =	dma.local @!p0 [hbm:s0], s1  }
0x49: {  	s0 =	simm.s32 @!p0 $0x1  }
0x4a: {  	_ =	swait.ge @!p0 [sflag:s0], s1  }
0x4b: {  	s1 =	ssub.s32 @!p0 $0x0, s1;
	[sflag:s0] =	ssyncset.done @!p0 $0x0  }
0x4c: {  	[sflag:s0] =	ssyncadd.s32 @!p0 s1  }
0x4d: {  	[bflag:$0x3] =	sbarrier.arrive $0xFFFF  }
0x4e: {  	_ =	shalt  }

</sc_bundles>
